<compile_context>
chip_gen: v7x
topology: tpu7x:2x2x1
jax: 0.10.2.dev20260603
libtpu: 0.0.44.dev20260713+nightly
codegen_flags: <defaults>
</compile_context>

<pallas_src>
import functools
import math

import jax
import jax.numpy as jnp
from jax import lax
from jax.experimental import pallas as pl
from jax.experimental.pallas import tpu as pltpu
from jax.experimental.pallas import tpu_sc as plsc

D_MODEL = 128
SCALE = math.sqrt(float(D_MODEL))

_info = plsc.get_sparse_core_info()
_NC, _NS, _L = _info.num_cores, _info.num_subcores, _info.num_lanes
_NW = _NC * _NS

CHUNK = 128


def _make_kernel(B):
    assert B % (_NW * CHUNK) == 0
    b_per_w = B // _NW
    n_chunks = b_per_w // CHUNK
    mesh = plsc.VectorSubcoreMesh(core_axis_name="c", subcore_axis_name="s")

    @functools.partial(
        pl.kernel,
        mesh=mesh,
        out_type=jax.ShapeDtypeStruct((B, D_MODEL), jnp.float32),
        scratch_types=[
            pltpu.VMEM((CHUNK,), jnp.int32),
            pltpu.VMEM((CHUNK, D_MODEL), jnp.float32),
            pltpu.SemaphoreType.DMA,
        ],
    )
    def k(idx_hbm, table_hbm, out_hbm, idx_v, rows_v, sem):
        wid = lax.axis_index("s") * _NC + lax.axis_index("c")
        w_base = wid * b_per_w

        def body(t, carry):
            base = w_base + t * CHUNK
            pltpu.sync_copy(idx_hbm.at[pl.ds(base, CHUNK)], idx_v)
            pltpu.async_copy(table_hbm.at[idx_v], rows_v, sem).wait()

            def scale_row(i, c):
                for j in range(D_MODEL // _L):
                    sl = pl.ds(j * _L, _L)
                    rows_v[i, sl] = rows_v[i, sl] * SCALE
                return c

            lax.fori_loop(0, CHUNK, scale_row, 0)
            pltpu.sync_copy(rows_v, out_hbm.at[pl.ds(base, CHUNK)])
            return carry

        lax.fori_loop(0, n_chunks, body, 0)

    return k


def kernel(x, table):
    orig_shape = x.shape
    flat = jnp.reshape(x, (-1,)).astype(jnp.int32)
    out = _make_kernel(flat.shape[0])(flat, table)
    return jnp.reshape(out, orig_shape + (D_MODEL,))

# --- scband reference (transcript-rebuilt; emitter-appended) ---
"""Pipeline reference for scband-input-embeddings-6253472383736 (READ-ONLY COPY).

The authoritative reference and input builder live on the scoring server;
editing this copy changes nothing except your own understanding.
"""

import jax, jax.numpy as jnp
import numpy as np
import math

D_MODEL = 128
VOCAB_SIZE = 1000000

def setup_inputs(seed: int = 0) -> dict:
    key = jax.random.key(seed)
    k_idx, k_tab = jax.random.split(key)
    x = jax.random.randint(k_idx, (4096, 200), 0, VOCAB_SIZE, dtype=jnp.int64 if jax.config.jax_enable_x64 else jnp.int32)
    table = jax.random.normal(k_tab, (VOCAB_SIZE, D_MODEL), dtype=jnp.float32)
    return {"x": x, "table": table}

def reference(x, table):
    # InputEmbeddings.forward: embedding lookup scaled by sqrt(d_model)
    emb = jnp.take(table, x, axis=0)
    return emb * math.sqrt(D_MODEL)

if __name__ == "__main__":
    import jax
    _d = setup_inputs()
    print(jax.jit(kernel)(*tuple(_d.values())))

</pallas_src>

<mosaic_0001>
#map = affine_map<(d0, d1) -> (0)>
#map1 = affine_map<(d0, d1) -> (0, 0)>
module attributes {stable_mosaic.version = 14 : i64} {
  func.func @k(%arg0: i32, %arg1: i32, %arg2: memref<819200xi32, #tpu.memory_space<hbm>>, %arg3: memref<1000000x128xf32, #tpu.memory_space<hbm>>, %arg4: memref<819200x128xf32, #tpu.memory_space<hbm>>, %arg5: memref<128xi32, #tpu.memory_space<vmem>>, %arg6: memref<128x128xf32, #tpu.memory_space<vmem>>, %arg7: memref<!tpu.dma_semaphore, #tpu.memory_space<semaphore_mem>>) attributes {dimension_semantics = [#tpu.dimension_semantics<core_parallel>, #tpu.dimension_semantics<subcore_parallel>], iteration_bounds = array<i64: 2, 16>, scalar_prefetch = 0 : i64, scratch_operands = 3 : i64, tpu.core_type = #tpu.core_type<sc_vector_subcore>, window_params = [{transform_indices = #map}, {transform_indices = #map1}, {transform_indices = #map1}]} {
    %mul3A = arith.constant 2 : i32
    %mul3A_0 = arith.muli %arg1, %mul3A : i32
    %add3A = arith.addi %mul3A_0, %arg0 : i32
    %mul3A_1 = arith.constant 25600 : i32
    %mul3A_2 = arith.muli %add3A, %mul3A_1 : i32
    %scan3A = arith.constant 0 : i32
    %scan3A_3 = arith.constant 0 : i32
    %scan3A_4 = arith.constant 200 : i32
    %scan3A_5 = arith.addi %scan3A_3, %scan3A_4 : i32
    %scan3A_6 = arith.constant 1 : i32
    scf.for %scan3A_8 = %scan3A_3 to %scan3A_5 step %scan3A_6  : i32 {
      %mul3A_9 = arith.constant 128 : i32
      %mul3A_10 = arith.muli %scan3A_8, %mul3A_9 : i32
      %add3A_11 = arith.addi %mul3A_2, %mul3A_10 : i32
      "tpu.region"() ({
        %run_scoped3A = tpu.sem_alloc : memref<!tpu.dma_semaphore, #tpu.memory_space<semaphore_mem>>
        %dma_start3A_22 = tpu.memref_slice %arg2[%add3A_11] : memref<819200xi32, #tpu.memory_space<hbm>> -> memref<128xi32, #tpu.memory_space<hbm>>
        %dma_start3A_23 = tpu.memref_slice %arg2[%add3A_11] : memref<819200xi32, #tpu.memory_space<hbm>> -> memref<128xi32, #tpu.memory_space<hbm>>
        tpu.enqueue_dma source(%dma_start3A_23 : memref<128xi32, #tpu.memory_space<hbm>>) target(%arg5 : memref<128xi32, #tpu.memory_space<vmem>>) target_semaphore(%run_scoped3A : memref<!tpu.dma_semaphore, #tpu.memory_space<semaphore_mem>>)
        %dma_wait3A_24 = tpu.memref_slice %arg2[%add3A_11] : memref<819200xi32, #tpu.memory_space<hbm>> -> memref<128xi32, #tpu.memory_space<hbm>>
        %dma_wait3A_25 = tpu.memref_slice %arg2[%add3A_11] : memref<819200xi32, #tpu.memory_space<hbm>> -> memref<128xi32, #tpu.memory_space<hbm>>
        tpu.wait_dma2 semaphore(%run_scoped3A : memref<!tpu.dma_semaphore, #tpu.memory_space<semaphore_mem>>) src(%dma_wait3A_25 : memref<128xi32, #tpu.memory_space<hbm>>) dst(%arg5 : memref<128xi32, #tpu.memory_space<vmem>>)
        tpu.yield
      }) : () -> ()
      %dma_start3A = arith.constant 0 : i32
      %dma_start3A_12 = arith.constant 0 : i32
      %dma_start3A_13 = tpu.memref_slice %arg3[%dma_start3A, %dma_start3A_12] : memref<1000000x128xf32, #tpu.memory_space<hbm>> -> memref<1000000x128xf32, #tpu.memory_space<hbm>>
      tpu.enqueue_indirect_dma source(%dma_start3A_13 : memref<1000000x128xf32, #tpu.memory_space<hbm>>) target(%arg6 : memref<128x128xf32, #tpu.memory_space<vmem>>) offsets(%arg5 : memref<128xi32, #tpu.memory_space<vmem>>) semaphore(%arg7 : memref<!tpu.dma_semaphore, #tpu.memory_space<semaphore_mem>>)
      %dma_wait3A = arith.constant 0 : i32
      %dma_wait3A_14 = arith.constant 0 : i32
      %dma_wait3A_15 = tpu.memref_slice %arg3[%dma_wait3A, %dma_wait3A_14] : memref<1000000x128xf32, #tpu.memory_space<hbm>> -> memref<1000000x128xf32, #tpu.memory_space<hbm>>
      tpu.wait_indirect_dma semaphore(%arg7 : memref<!tpu.dma_semaphore, #tpu.memory_space<semaphore_mem>>) src(%dma_wait3A_15 : memref<1000000x128xf32, #tpu.memory_space<hbm>>) dst(%arg6 : memref<128x128xf32, #tpu.memory_space<vmem>>)
      %scan3A_16 = arith.constant 0 : i32
      %scan3A_17 = arith.constant 0 : i32
      %scan3A_18 = arith.constant 128 : i32
      %scan3A_19 = arith.addi %scan3A_17, %scan3A_18 : i32
      %scan3A_20 = arith.constant 1 : i32
      scf.for %scan3A_22 = %scan3A_17 to %scan3A_19 step %scan3A_20  : i32 {
        %get3A = arith.index_cast %scan3A_22 : i32 to index
        %get3A_23 = arith.constant 0 : index
        %get3A_24 = tpu.vector_load %arg6[%get3A, %get3A_23] {strides = array<i32>} : memref<128x128xf32, #tpu.memory_space<vmem>>, vector<1x16xf32>,
        %get3A_25 = vector.shape_cast %get3A_24 : vector<1x16xf32> to vector<16xf32>
        %mul3A_26 = arith.constant 11.3137083 : f32
        %mul3A_27 = vector.broadcast %mul3A_26 : f32 to vector<16xf32>
        %mul3A_28 = arith.mulf %get3A_25, %mul3A_27 : vector<16xf32>
        %swap3A = arith.index_cast %scan3A_22 : i32 to index
        %swap3A_29 = arith.constant 0 : index
        %swap3A_30 = tpu.vector_load %arg6[%swap3A, %swap3A_29] {strides = array<i32>} : memref<128x128xf32, #tpu.memory_space<vmem>>, vector<1x16xf32>,
        %swap3A_31 = vector.shape_cast %swap3A_30 : vector<1x16xf32> to vector<16xf32>
        %swap3A_32 = vector.shape_cast %mul3A_28 : vector<16xf32> to vector<1x16xf32>
        tpu.vector_store %arg6[%swap3A, %swap3A_29], %swap3A_32 {strides = array<i32>} : memref<128x128xf32, #tpu.memory_space<vmem>>, vector<1x16xf32>,
        %get3A_33 = arith.index_cast %scan3A_22 : i32 to index
        %get3A_34 = arith.constant 16 : index
        %get3A_35 = tpu.vector_load %arg6[%get3A_33, %get3A_34] {strides = array<i32>} : memref<128x128xf32, #tpu.memory_space<vmem>>, vector<1x16xf32>,
        %get3A_36 = vector.shape_cast %get3A_35 : vector<1x16xf32> to vector<16xf32>
        %mul3A_37 = arith.constant 11.3137083 : f32
        %mul3A_38 = vector.broadcast %mul3A_37 : f32 to vector<16xf32>
        %mul3A_39 = arith.mulf %get3A_36, %mul3A_38 : vector<16xf32>
        %swap3A_40 = arith.index_cast %scan3A_22 : i32 to index
        %swap3A_41 = arith.constant 16 : index
        %swap3A_42 = tpu.vector_load %arg6[%swap3A_40, %swap3A_41] {strides = array<i32>} : memref<128x128xf32, #tpu.memory_space<vmem>>, vector<1x16xf32>,
        %swap3A_43 = vector.shape_cast %swap3A_42 : vector<1x16xf32> to vector<16xf32>
        %swap3A_44 = vector.shape_cast %mul3A_39 : vector<16xf32> to vector<1x16xf32>
        tpu.vector_store %arg6[%swap3A_40, %swap3A_41], %swap3A_44 {strides = array<i32>} : memref<128x128xf32, #tpu.memory_space<vmem>>, vector<1x16xf32>,
        %get3A_45 = arith.index_cast %scan3A_22 : i32 to index
        %get3A_46 = arith.constant 32 : index
        %get3A_47 = tpu.vector_load %arg6[%get3A_45, %get3A_46] {strides = array<i32>} : memref<128x128xf32, #tpu.memory_space<vmem>>, vector<1x16xf32>,
        %get3A_48 = vector.shape_cast %get3A_47 : vector<1x16xf32> to vector<16xf32>
        %mul3A_49 = arith.constant 11.3137083 : f32
        %mul3A_50 = vector.broadcast %mul3A_49 : f32 to vector<16xf32>
        %mul3A_51 = arith.mulf %get3A_48, %mul3A_50 : vector<16xf32>
        %swap3A_52 = arith.index_cast %scan3A_22 : i32 to index
        %swap3A_53 = arith.constant 32 : index
        %swap3A_54 = tpu.vector_load %arg6[%swap3A_52, %swap3A_53] {strides = array<i32>} : memref<128x128xf32, #tpu.memory_space<vmem>>, vector<1x16xf32>,
        %swap3A_55 = vector.shape_cast %swap3A_54 : vector<1x16xf32> to vector<16xf32>
        %swap3A_56 = vector.shape_cast %mul3A_51 : vector<16xf32> to vector<1x16xf32>
        tpu.vector_store %arg6[%swap3A_52, %swap3A_53], %swap3A_56 {strides = array<i32>} : memref<128x128xf32, #tpu.memory_space<vmem>>, vector<1x16xf32>,
        %get3A_57 = arith.index_cast %scan3A_22 : i32 to index
        %get3A_58 = arith.constant 48 : index
        %get3A_59 = tpu.vector_load %arg6[%get3A_57, %get3A_58] {strides = array<i32>} : memref<128x128xf32, #tpu.memory_space<vmem>>, vector<1x16xf32>,
        %get3A_60 = vector.shape_cast %get3A_59 : vector<1x16xf32> to vector<16xf32>
        %mul3A_61 = arith.constant 11.3137083 : f32
        %mul3A_62 = vector.broadcast %mul3A_61 : f32 to vector<16xf32>
        %mul3A_63 = arith.mulf %get3A_60, %mul3A_62 : vector<16xf32>
        %swap3A_64 = arith.index_cast %scan3A_22 : i32 to index
        %swap3A_65 = arith.constant 48 : index
        %swap3A_66 = tpu.vector_load %arg6[%swap3A_64, %swap3A_65] {strides = array<i32>} : memref<128x128xf32, #tpu.memory_space<vmem>>, vector<1x16xf32>,
        %swap3A_67 = vector.shape_cast %swap3A_66 : vector<1x16xf32> to vector<16xf32>
        %swap3A_68 = vector.shape_cast %mul3A_63 : vector<16xf32> to vector<1x16xf32>
        tpu.vector_store %arg6[%swap3A_64, %swap3A_65], %swap3A_68 {strides = array<i32>} : memref<128x128xf32, #tpu.memory_space<vmem>>, vector<1x16xf32>,
        %get3A_69 = arith.index_cast %scan3A_22 : i32 to index
        %get3A_70 = arith.constant 64 : index
        %get3A_71 = tpu.vector_load %arg6[%get3A_69, %get3A_70] {strides = array<i32>} : memref<128x128xf32, #tpu.memory_space<vmem>>, vector<1x16xf32>,
        %get3A_72 = vector.shape_cast %get3A_71 : vector<1x16xf32> to vector<16xf32>
        %mul3A_73 = arith.constant 11.3137083 : f32
        %mul3A_74 = vector.broadcast %mul3A_73 : f32 to vector<16xf32>
        %mul3A_75 = arith.mulf %get3A_72, %mul3A_74 : vector<16xf32>
        %swap3A_76 = arith.index_cast %scan3A_22 : i32 to index
        %swap3A_77 = arith.constant 64 : index
        %swap3A_78 = tpu.vector_load %arg6[%swap3A_76, %swap3A_77] {strides = array<i32>} : memref<128x128xf32, #tpu.memory_space<vmem>>, vector<1x16xf32>,
        %swap3A_79 = vector.shape_cast %swap3A_78 : vector<1x16xf32> to vector<16xf32>
        %swap3A_80 = vector.shape_cast %mul3A_75 : vector<16xf32> to vector<1x16xf32>
        tpu.vector_store %arg6[%swap3A_76, %swap3A_77], %swap3A_80 {strides = array<i32>} : memref<128x128xf32, #tpu.memory_space<vmem>>, vector<1x16xf32>,
        %get3A_81 = arith.index_cast %scan3A_22 : i32 to index
        %get3A_82 = arith.constant 80 : index
        %get3A_83 = tpu.vector_load %arg6[%get3A_81, %get3A_82] {strides = array<i32>} : memref<128x128xf32, #tpu.memory_space<vmem>>, vector<1x16xf32>,
        %get3A_84 = vector.shape_cast %get3A_83 : vector<1x16xf32> to vector<16xf32>
        %mul3A_85 = arith.constant 11.3137083 : f32
        %mul3A_86 = vector.broadcast %mul3A_85 : f32 to vector<16xf32>
        %mul3A_87 = arith.mulf %get3A_84, %mul3A_86 : vector<16xf32>
        %swap3A_88 = arith.index_cast %scan3A_22 : i32 to index
        %swap3A_89 = arith.constant 80 : index
        %swap3A_90 = tpu.vector_load %arg6[%swap3A_88, %swap3A_89] {strides = array<i32>} : memref<128x128xf32, #tpu.memory_space<vmem>>, vector<1x16xf32>,
        %swap3A_91 = vector.shape_cast %swap3A_90 : vector<1x16xf32> to vector<16xf32>
        %swap3A_92 = vector.shape_cast %mul3A_87 : vector<16xf32> to vector<1x16xf32>
        tpu.vector_store %arg6[%swap3A_88, %swap3A_89], %swap3A_92 {strides = array<i32>} : memref<128x128xf32, #tpu.memory_space<vmem>>, vector<1x16xf32>,
        %get3A_93 = arith.index_cast %scan3A_22 : i32 to index
        %get3A_94 = arith.constant 96 : index
        %get3A_95 = tpu.vector_load %arg6[%get3A_93, %get3A_94] {strides = array<i32>} : memref<128x128xf32, #tpu.memory_space<vmem>>, vector<1x16xf32>,
        %get3A_96 = vector.shape_cast %get3A_95 : vector<1x16xf32> to vector<16xf32>
        %mul3A_97 = arith.constant 11.3137083 : f32
        %mul3A_98 = vector.broadcast %mul3A_97 : f32 to vector<16xf32>
        %mul3A_99 = arith.mulf %get3A_96, %mul3A_98 : vector<16xf32>
        %swap3A_100 = arith.index_cast %scan3A_22 : i32 to index
        %swap3A_101 = arith.constant 96 : index
        %swap3A_102 = tpu.vector_load %arg6[%swap3A_100, %swap3A_101] {strides = array<i32>} : memref<128x128xf32, #tpu.memory_space<vmem>>, vector<1x16xf32>,
        %swap3A_103 = vector.shape_cast %swap3A_102 : vector<1x16xf32> to vector<16xf32>
        %swap3A_104 = vector.shape_cast %mul3A_99 : vector<16xf32> to vector<1x16xf32>
        tpu.vector_store %arg6[%swap3A_100, %swap3A_101], %swap3A_104 {strides = array<i32>} : memref<128x128xf32, #tpu.memory_space<vmem>>, vector<1x16xf32>,
        %get3A_105 = arith.index_cast %scan3A_22 : i32 to index
        %get3A_106 = arith.constant 112 : index
        %get3A_107 = tpu.vector_load %arg6[%get3A_105, %get3A_106] {strides = array<i32>} : memref<128x128xf32, #tpu.memory_space<vmem>>, vector<1x16xf32>,
        %get3A_108 = vector.shape_cast %get3A_107 : vector<1x16xf32> to vector<16xf32>
        %mul3A_109 = arith.constant 11.3137083 : f32
        %mul3A_110 = vector.broadcast %mul3A_109 : f32 to vector<16xf32>
        %mul3A_111 = arith.mulf %get3A_108, %mul3A_110 : vector<16xf32>
        %swap3A_112 = arith.index_cast %scan3A_22 : i32 to index
        %swap3A_113 = arith.constant 112 : index
        %swap3A_114 = tpu.vector_load %arg6[%swap3A_112, %swap3A_113] {strides = array<i32>} : memref<128x128xf32, #tpu.memory_space<vmem>>, vector<1x16xf32>,
        %swap3A_115 = vector.shape_cast %swap3A_114 : vector<1x16xf32> to vector<16xf32>
        %swap3A_116 = vector.shape_cast %mul3A_111 : vector<16xf32> to vector<1x16xf32>
        tpu.vector_store %arg6[%swap3A_112, %swap3A_113], %swap3A_116 {strides = array<i32>} : memref<128x128xf32, #tpu.memory_space<vmem>>, vector<1x16xf32>,
      }
      %scan3A_21 = arith.constant 128 : i32
      "tpu.region"() ({
        %run_scoped3A = tpu.sem_alloc : memref<!tpu.dma_semaphore, #tpu.memory_space<semaphore_mem>>
        %dma_start3A_22 = arith.constant 0 : i32
        %dma_start3A_23 = tpu.memref_slice %arg4[%add3A_11, %dma_start3A_22] : memref<819200x128xf32, #tpu.memory_space<hbm>> -> memref<128x128xf32, #tpu.memory_space<hbm>>
        %dma_start3A_24 = arith.constant 0 : i32
        %dma_start3A_25 = tpu.memref_slice %arg4[%add3A_11, %dma_start3A_24] : memref<819200x128xf32, #tpu.memory_space<hbm>> -> memref<128x128xf32, #tpu.memory_space<hbm>>
        tpu.enqueue_dma source(%arg6 : memref<128x128xf32, #tpu.memory_space<vmem>>) target(%dma_start3A_25 : memref<128x128xf32, #tpu.memory_space<hbm>>) target_semaphore(%run_scoped3A : memref<!tpu.dma_semaphore, #tpu.memory_space<semaphore_mem>>)
        %dma_wait3A_26 = arith.constant 0 : i32
        %dma_wait3A_27 = tpu.memref_slice %arg4[%add3A_11, %dma_wait3A_26] : memref<819200x128xf32, #tpu.memory_space<hbm>> -> memref<128x128xf32, #tpu.memory_space<hbm>>
        %dma_wait3A_28 = arith.constant 0 : i32
        %dma_wait3A_29 = tpu.memref_slice %arg4[%add3A_11, %dma_wait3A_28] : memref<819200x128xf32, #tpu.memory_space<hbm>> -> memref<128x128xf32, #tpu.memory_space<hbm>>
        tpu.wait_dma2 semaphore(%run_scoped3A : memref<!tpu.dma_semaphore, #tpu.memory_space<semaphore_mem>>) src(%arg6 : memref<128x128xf32, #tpu.memory_space<vmem>>) dst(%dma_wait3A_29 : memref<128x128xf32, #tpu.memory_space<hbm>>)
        tpu.yield
      }) : () -> ()
    }
    %scan3A_7 = arith.constant 200 : i32
    return
  }
}

</mosaic_0001>

<sc_bundles>
// kernel: kernel.3.cloned.1.call-start
scs
__scs_entry_jumppad:
0x0: {  	(pc) =	sbr.rel $0x88, $3  }
0x1: {  	(tag) =	ssettag $0x0;
	lr =	simm.s32 $0x1  }
0x2: {  	[smem:$0x3F9F] =	sst lr;
	_ =	strace $0xD0000000  }
0x3: {  	_ = 	snop  }
0x4: {  	_ = 	snop  }
0x5: {  	_ = 	snop  }
0x6: {  	_ = 	snop  }
0x7: {  	_ = 	snop  }
__scs_overlays_trampoline_lowered:
0x8: {  	[smem:$0x3FAE] =	sst s0  }
0x9: {  	[smem:$0x3FAF] =	sst s1  }
0xa: {  	[smem:$0x3FB0] =	sst s2  }
0xb: {  	[smem:$0x3FB1] =	sst s3  }
0xc: {  	[smem:$0x3FB2] =	sst s4  }
0xd: {  	[smem:$0x3FB3] =	sst s5  }
0xe: {  	[smem:$0x3FB4] =	sst s6  }
0xf: {  	[smem:$0x3FB5] =	sst s7  }
0x10: {  	[smem:$0x3FB6] =	sst s8  }
0x11: {  	[smem:$0x3FB7] =	sst s9;
	s0 =	simm.s32 @!p0 $0x0  }
0x12: {  	s1 =	sld [smem:$0x3F9D];
	s0 =	simm.s32 @p0 $0x1  }
0x13: {  	[smem:$0x3FB8] =	sst s0;
	s0 =	simm.s32 @!p1 $0x0  }
0x14: {  	s2 =	sld [smem:$0x3F9C];
	s0 =	simm.s32 @p1 $0x1  }
0x15: {  	[smem:$0x3FB9] =	sst s0;
	s0 =	simm.s32 @!p2 $0x0  }
0x16: {  	s3 =	sld [smem:$0x3FDB];
	s0 =	simm.s32 @p2 $0x1  }
0x17: {  	s4 =	simm.s32 $0x1BF5;
	[smem:$0x3FBB] =	sst s0  }
0x18: {  	s0 =	sld [smem:$0x3F9E];
	_ =	swait.ge [sflag:s4], $0x0  }
0x19: {  	s7 =	sld [smem:$0x3F9F]  }
0x1a: {  	s8 =	sadd.s32 $0xFFFFE003, lr  }
0x1b: {  	s9 =	sadd.s32 $0xFFFFFEF7, lr;
	s5 =	simm.s32 $0xFFFFFFFF;
	p2 =	slt.u32 s8, $0xFFFFF086  }
0x1c: {  	p1 =	slt.u32 s9, $0xF7A;
	s5 =	simm.s32 @!p2 $0x0  }
0x1d: {  	s5 =	simm.s32 @p1 $0x1;
	p0 =	seq.s32 s7, s2  }
0x1e: {  	s7 =	smul.u32 @!p0 $0xF7A, s2;
	p2 =	seq.s32 @!p0 s5, $0x0  }
0x1f: {  	s9 =	smul.u32 $0xF7A, s1;
	s8 =	simm.s32 @!p0 $0x1BF5;
	p2 =	por !p2, p0  }
0x20: {  	[sflag:s8] =	ssyncset.s32 @!p0 $0xFFFFF086;
	s6 =	sadd.s32 @!p0 s3, s7;
	s7 =	simm.s32 @!p0 $0x108  }
0x21: {  	s3 =	sadd.s32 s3, s9;
	s6 =	sadd.s32 @!p0 $0x88, s6;
	s7 =	simm.s32 @p2 $0x1082  }
0x22: {  	[simem:s7], [sflag:s8] =	dma.local @!p0 [hbm:s6], $0xF7A  }
0x23: {  	s9 =	sor.u32 $0xD0000000, s2;
	s6 =	simm.s32 $0x108;
	_ =	swait.ge @!p0 [sflag:s8], $0x0  }
0x24: {  	s3 =	sadd.s32 $0x88, s3;
	s6 =	simm.s32 @!p1 $0x1082;
	[sflag:s4] =	ssyncset.s32 $0xFFFFF086  }
0x25: {  	[simem:s6], [sflag:s4] =	dma.local [hbm:s3], $0xF7A  }
0x26: {  	[smem:$0x3F9F] =	sst s1;
	(tag) =	ssettag s2;
	_ =	strace s9  }
0x27: {  	s1 =	sld [smem:$0x3FAF]  }
0x28: {  	s2 =	sld [smem:$0x3FB0]  }
0x29: {  	s4 =	sld [smem:$0x3FB2]  }
0x2a: {  	p0 =	seq.s32 s5, $0x0;
	s5 =	sld [smem:$0x3FB3]  }
0x2b: {  	s6 =	sld [smem:$0x3FB4]  }
0x2c: {  	s7 =	sld [smem:$0x3FB5]  }
0x2d: {  	s3 =	simm.s32 $0x108;
	s8 =	sld [smem:$0x3FB6]  }
0x2e: {  	s3 =	simm.s32 @!p0 $0x1082;
	s9 =	sld [smem:$0x3FB7]  }
0x2f: {  	lr =	sadd.s32 s0, s3;
	s0 =	sld [smem:$0x3FAE]  }
0x30: {  	s3 =	sld [smem:$0x3FB1]  }
0x31: {  	[smem:$0x3FBA] =	sst s10  }
0x32: {  	s10 =	sld [smem:$0x3FB8];
	_ =	sdelay $0x3  }
0x33: {  	p0 =	seq.s32 s10, $0x1;
	s10 =	sld [smem:$0x3FBA];
	_ =	sdelay $0x3  }
0x34: {  	[smem:$0x3FBA] =	sst s10  }
0x35: {  	s10 =	sld [smem:$0x3FB9];
	_ =	sdelay $0x3  }
0x36: {  	p1 =	seq.s32 s10, $0x1;
	s10 =	sld [smem:$0x3FBA];
	_ =	sdelay $0x3  }
0x37: {  	[smem:$0x3FBA] =	sst s10  }
0x38: {  	s10 =	sld [smem:$0x3FBB]  }
0x39: {  	_ = 	snop;
	(pc) =	sbr.ind lr, $3  }
0x3a: {  	_ = 	snop  }
0x3b: {  	_ = 	snop  }
0x3c: {  	p2 =	seq.s32 s10, $0x1;
	s10 =	sld [smem:$0x3FBA]  }
0x3d: {  	_ =	shalt  }
0x3e: {  	_ =	shalt  }
0x3f: {  	_ =	shalt  }
0x40: {  	_ =	shalt  }
0x41: {  	_ =	shalt  }
0x42: {  	_ =	shalt  }
0x43: {  	_ =	shalt  }
0x44: {  	_ =	shalt  }
0x45: {  	_ =	shalt  }
0x46: {  	_ =	shalt  }
0x47: {  	_ =	shalt  }
0x48: {  	_ =	shalt  }
0x49: {  	_ =	shalt  }
0x4a: {  	_ =	shalt  }
0x4b: {  	_ =	shalt  }
0x4c: {  	_ =	shalt  }
0x4d: {  	_ =	shalt  }
0x4e: {  	_ =	shalt  }
0x4f: {  	_ =	shalt  }
0x50: {  	_ =	shalt  }
0x51: {  	_ =	shalt  }
0x52: {  	_ =	shalt  }
0x53: {  	_ =	shalt  }
0x54: {  	_ =	shalt  }
0x55: {  	_ =	shalt  }
0x56: {  	_ =	shalt  }
0x57: {  	_ =	shalt  }
0x58: {  	_ =	shalt  }
0x59: {  	_ =	shalt  }
0x5a: {  	_ =	shalt  }
0x5b: {  	_ =	shalt  }
0x5c: {  	_ =	shalt  }
0x5d: {  	_ =	shalt  }
0x5e: {  	_ =	shalt  }
0x5f: {  	_ =	shalt  }
0x60: {  	_ =	shalt  }
0x61: {  	_ =	shalt  }
0x62: {  	_ =	shalt  }
0x63: {  	_ =	shalt  }
0x64: {  	_ =	shalt  }
0x65: {  	_ =	shalt  }
0x66: {  	_ =	shalt  }
0x67: {  	_ =	shalt  }
0x68: {  	_ =	shalt  }
0x69: {  	_ =	shalt  }
0x6a: {  	_ =	shalt  }
0x6b: {  	_ =	shalt  }
0x6c: {  	_ =	shalt  }
0x6d: {  	_ =	shalt  }
0x6e: {  	_ =	shalt  }
0x6f: {  	_ =	shalt  }
0x70: {  	_ =	shalt  }
0x71: {  	_ =	shalt  }
0x72: {  	_ =	shalt  }
0x73: {  	_ =	shalt  }
0x74: {  	_ =	shalt  }
0x75: {  	_ =	shalt  }
0x76: {  	_ =	shalt  }
0x77: {  	_ =	shalt  }
0x78: {  	_ =	shalt  }
0x79: {  	_ =	shalt  }
0x7a: {  	_ =	shalt  }
0x7b: {  	_ =	shalt  }
0x7c: {  	_ =	shalt  }
0x7d: {  	_ =	shalt  }
0x7e: {  	_ =	shalt  }
0x7f: {  	_ =	shalt  }
0x80: {  	_ =	shalt  }
0x81: {  	_ =	shalt  }
0x82: {  	_ =	shalt  }
0x83: {  	_ =	shalt  }
0x84: {  	_ =	shalt  }
0x85: {  	_ =	shalt  }
0x86: {  	_ =	shalt  }
0x87: {  	_ =	shalt  }
.Lfunc_end0:
.L_simem_size_0:
called_computation_lowered:
.L_overlay_start_0:
0x88: {  	s2 =	sld [smem:$0x3FD9]  }
0x89: {  	s3 =	sld [smem:$0x3FFE];
	_ =	sdelay $0x1  }
0x8a: {  	s1 =	srdreg.scid  }
0x8b: {  	s0 =	sand.u32 $0x1, s1  }
0x8c: {  	s17 =	sshll.u32 s0, $0xA;
	s2 =	sadd.s32 s3, s2  }
0x8d: {  	s2 =	sadd.s32 s2, s17  }
0x8e: {  	[smem:$0x3FC6] =	sst s2  }
0x8f: {  	_ = 	snop  }
0x90: {  	s2 =	sld [smem:$0x3FC8]  }
0x91: {  	s18 =	sld [smem:$0x3FD0];
	(tm) =	ssettm $0x1  }
0x92: {  	s4 =	sld [smem:$0x3FFB];
	_ =	sdelay $0x3  }
0x93: {  	_ =	strace s4  }
0x94: {  	s4 =	sld [smem:$0x3FFC];
	_ =	sdelay $0x3  }
0x95: {  	_ =	strace s4  }
0x96: {  	s4 =	sld [smem:$0x3FFD];
	_ =	sdelay $0x3  }
0x97: {  	_ =	strace s4  }
0x98: {  	_ =	strace $0x8FFFFFFF  }
0x99: {  	s19 =	sld [smem:$0x3FDB];
	_ =	sdelay $0x1  }
0x9a: {  	s5 =	simm.s32 $_scs_section_size  }
0x9b: {  	s6 =	simm.s32 $_size__tile_overlayer_lowered;
	s7 =	simm.s32 $_tile_overlayer_lowered  }
0x9c: {  	s22 =	simm.s32 $0x1BFF;
	s21 =	sshll.u32 s7, $0x1;
	s4 =	sadd.s32 s5, s19  }
0x9d: {  	s8 =	simm.s32 $0x0;
	s20 =	sshll.u32 s6, $0x1;
	s6 =	sadd.s32 s21, s4  }
0x9e: {  	[timem:s8], [sflag:s22] =	dma.local [hbm:s6], s20  }
0x9f: {  	_ =	swait.ge [sflag:s22], s20  }
0xa0: {  	s5 =	ssub.s32 $0x0, s20;
	[sflag:s22] =	ssyncset.done $0x0  }
0xa1: {  	[sflag:s22] =	ssyncadd.s32 s5;
	_ =	sdelay $0x1  }
0xa2: {  	s23 =	simm.s32 $0x1B8B  }
0xa3: {  	_ =	swait.ge [sflag:s23], $0x1  }
0xa4: {  	[sflag:s23] =	ssyncset.done $0x0  }
0xa5: {  	s25 =	simm.s32 $0x1B8E;
	s24 =	sld [smem:$0x3FFE];
	[sflag:s23] =	ssyncadd.s32 $0xFFFFFFFF  }
0xa6: {  	s26 =	simm.s32 $execute0_lowered;
	[smem:$0x3FD2] =	sst s25  }
0xa7: {  	s6 =	sshll.u32 s26, $0x1;
	_ =	strace $0x80000046;
	[dreg:$0x1] =	wrdreg $0xFFFFFFFF  }
0xa8: {  	s28 =	simm.s32 $_size_execute0_lowered;
	s4 =	sadd.s32 s4, s6;
	[dreg:$0x0] =	wrdreg $0x0  }
0xa9: {  	s6 =	sshll.u32 s28, $0x1;
	[dreg:$0x2] =	wrdreg s4  }
0xaa: {  	[dreg:$0x3] =	wrdreg s6  }
0xab: {  	[dreg:$0x4] =	wrdreg $0xC0  }
0xac: {  	_ =	task [dreg:s8], $0x5FFFF  }
0xad: {  	[dreg:$0x1] =	wrdreg $0xFFFFFFFF  }
0xae: {  	[dreg:$0x0] =	wrdreg $0x60  }
0xaf: {  	[dreg:$0x2] =	wrdreg s24  }
0xb0: {  	[dreg:$0x3] =	wrdreg s2  }
0xb1: {  	[dreg:$0x4] =	wrdreg s18  }
0xb2: {  	[dreg:$0x5] =	wrdreg $0x9  }
0xb3: {  	_ =	task.clear_ibuf [dreg:s8], $0x6FFFF;
	_ =	strace $0x90000046  }
0xb4: {  	s29 =	simm.s32 $0x9;
	_ =	strace $0x80000048  }
0xb5: {  	_ =	swait.ge [sflag:s29], $0x1  }
0xb6: {  	[sflag:s29] =	ssyncadd.s32 $0xFFFFFFFF  }
0xb7: {  	_ =	strace $0x90000048  }
0xb8: {  	_ =	sfence  }
0xb9: {  	s30 =	sld [smem:$0x0];
	_ =	sdelay $0x2  }
0xba: {  	s31 =	sshll.u32 s1, $0xD;
	s1 =	sshrl.u32 s1, $0x2  }
0xbb: {  	s3 =	sand.u32 $0x4000, s31;
	s1 =	sadd.s32 s1, s30  }
0xbc: {  	s0 =	sor.u32 s3, s0;
	s1 =	sshll.u32 s1, $0x11  }
0xbd: {  	s0 =	sor.u32 s1, s0  }
0xbe: {  	s0 =	sadd.s32 $0x8F2B, s0  }
0xbf: {  	[sflag:s0] =	ssyncadd.remote.s32 $0x1  }
0xc0: {  	_ =	sfence.sel $0xFFFF  }
0xc1: {  	[dreg:$0x0] =	wrdreg $0xFFFFFFFF;
	(pc) =	sbr.abs _section_cstart, $3  }
0xc2: {  	[dreg:$0x1] =	wrdreg $0xFFFFFFFF  }
0xc3: {  	_ =	task.clear_ibuf [dreg:s8], $0x2FFFF;
	_ =	strace $0x9FFFFFFF  }
0xc4: {  	(tm) =	ssettm $0x7FFFFFFF  }
0xc5: {  	_ =	shalt  }
tec
execute0_lowered:
.L_overlay_start_1:
0x0: {  	(tag) =	ssettag $0x1  }
0x1: {  	s5 =	rddreg [dreg:$0x0]  }
0x2: {  	s1 =	rddreg [dreg:$0x1]  }
0x3: {  	s2 =	rddreg [dreg:$0x2];
	s3 =	srdreg.scid  }
0x4: {  	s0 =	rddreg [dreg:$0x3];
	s4 =	simm.s32 $0x0;
	s10 =	simm.s32 $0x1  }
0x5: {  	s11 =	simm.s32 $0x0;
	s6 =	sand.u32 $0x1, s3;
	[smem:$0x7FF] =	sst s4  }
0x6: {  	s3 =	stileid.u32;
	s5 =	sadd.s32 $0x400, s5;
	s7 =	ssub.s32 $0x2, s6  }
0x7: {  	_ =	strace $0x80000047;
	s9 =	sshll.u32 s3, $0x1;
	s8 =	sshrl.u32 s7, $0x1  }
0x8: {  	s6 =	sor.u32 s6, s9;
	s9 =	simm.s32 $0x80;
	s7 =	ssub.s32 s7, s8  }
0x9: {  	s6 =	smul.u32 $0x6400, s6;
	s8 =	simm.s32 $0x2;
	s7 =	smax.u32 s7, $0x1  }
.LBB2_1:
0xa: {  	s12 =	simm.s32 $0x0  }
.LBB2_2:
0xb: {  	s13 =	sshll.u32 s12, $0x7  }
0xc: {  	s13 =	sadd.s32 s6, s13  }
0xd: {  	s14 =	sshrl.u32 s13, $0x3  }
0xe: {  	s15 =	simm.s32 $0x0;
	s14 =	sadd.s32 s5, s14  }
0xf: {  	[tilespmem:s15], [sflag:$0x2] =	stream.linear.gather [hbm4b:s14+s15], $0x80, $0x38;
	[tilespmem:$0x4080] =	vst v63  }
0x10: {  	_ =	swait.ge [sflag:s8], $0x80  }
0x11: {  	[sflag:s8] =	ssyncset.done $0x0  }
0x12: {  	[sflag:s8] =	ssyncadd.s32 $0xFFFFFF80  }
0x13: {  	[tilespmem:s9], [sflag:$0x1] =	stream.indirect.gather [hbm4b:s1+s9], $0x80, s15, s9, $0xb8;
	[tilespmem:$0x4080] =	vst v63  }
0x14: {  	_ =	swait.ge [sflag:s10], $0x4000  }
0x15: {  	[sflag:s10] =	ssyncset.done $0x0  }
0x16: {  	s14 =	simm.s32 $0x0;
	[sflag:s10] =	ssyncadd.s32 $0xFFFFC000  }
0x17: {  	v3 =	vld [tilespmem:s14+$0x80]  }
0x18: {  	v5 =	vld [tilespmem:s14+$0x90]  }
0x19: {  	v4 =	vld [tilespmem:s14+$0xA0]  }
0x1a: {  	v2 =	vld [tilespmem:s14+$0xB0]  }
0x1b: {  	v0 =	vld [tilespmem:s14+$0xC0]  }
0x1c: {  	v1 =	vld [tilespmem:s14+$0xD0];
	v6 =	vmul.f32 $1.131370830e+01, v3  }
0x1d: {  	s15 =	simm.s32 $0x200;
	v5 =	vmul.f32 $1.131370830e+01, v5;
	v3 =	vld [tilespmem:s14+$0xE0]  }
.LBB2_3:
0x1e: {  	s16 =	sshra.s32 s15, $0x2;
	p0 =	sne.s32 s15, $0xFE00;
	[tilespmem:s14+$0x80] =	vst v6;
	v4 =	vmul.f32 $1.131370830e+01, v4;
	v6 =	vld [tilespmem:s14+$0xF0]  }
0x1f: {  	v7 =	vld [tilespmem:s16+$0x80];
	[tilespmem:s14+$0x90] =	vst v5;
	v2 =	vmul.f32 $1.131370830e+01, v2  }
0x20: {  	v5 =	vld [tilespmem:s16+$0x90];
	[tilespmem:s14+$0xA0] =	vst v4;
	v0 =	vmul.f32 $1.131370830e+01, v0  }
.Ltmp0:
0x21: {  	v4 =	vld [tilespmem:s16+$0xA0];
	[tilespmem:s14+$0xB0] =	vst v2;
	v1 =	vmul.f32 $1.131370830e+01, v1;
	(pc) =	sbr.rel @p0 .LBB2_3-.Ltmp0, $4  }
0x22: {  	v2 =	vld [tilespmem:s16+$0xB0];
	[tilespmem:s14+$0xC0] =	vst v0;
	v3 =	vmul.f32 $1.131370830e+01, v3  }
0x23: {  	v0 =	vld [tilespmem:s16+$0xC0];
	[tilespmem:s14+$0xD0] =	vst v1;
	v8 =	vmul.f32 $1.131370830e+01, v6  }
0x24: {  	v6 =	vmul.f32 $1.131370830e+01, v7;
	v1 =	vld [tilespmem:s16+$0xD0];
	[tilespmem:s14+$0xE0] =	vst v3  }
0x25: {  	s15 =	sadd.s32 $0x200, s15;
	v5 =	vmul.f32 $1.131370830e+01, v5;
	v3 =	vld [tilespmem:s16+$0xE0];
	[tilespmem:s14+$0xF0] =	vst v8;
	s14 =	smov.u32 s16  }
0x26: {  	[tilespmem:s14+$0x80] =	vst v6;
	v4 =	vmul.f32 $1.131370830e+01, v4;
	v61 =	vld [tilespmem:s14+$0xF0]  }
0x27: {  	[tilespmem:s14+$0x90] =	vst v5;
	v2 =	vmul.f32 $1.131370830e+01, v2  }
0x28: {  	[tilespmem:s14+$0xA0] =	vst v4;
	v0 =	vmul.f32 $1.131370830e+01, v0  }
0x29: {  	[tilespmem:s14+$0xB0] =	vst v2;
	v1 =	vmul.f32 $1.131370830e+01, v1  }
0x2a: {  	[tilespmem:s14+$0xC0] =	vst v0;
	v62 =	vmul.f32 $1.131370830e+01, v3  }
0x2b: {  	s12 =	sadd.s32 $0x1, s12;
	[tilespmem:s14+$0xD0] =	vst v1;
	v63 =	vmul.f32 $1.131370830e+01, v61  }
0x2c: {  	s13 =	sshll.u32 s13, $0x4;
	p0 =	sne.s32 s12, $0xC8;
	[tilespmem:s14+$0xE0] =	vst v62  }
.Ltmp1:
0x2d: {  	s13 =	sadd.s32 s2, s13;
	[tilespmem:s14+$0xF0] =	vst v63;
	(pc) =	sbr.rel @p0 .LBB2_2-.Ltmp1, $4  }
0x2e: {  	[hbm4b:s13+s4] =	stream.linear.scatter [tilespmem:s9], [sflag:$0x2], $0x4000, $0x38;
	[tilespmem:$0x4080] =	vst v63  }
0x2f: {  	_ =	swait.ge [sflag:s8], $0x4000  }
0x30: {  	[sflag:s8] =	ssyncset.done $0x0  }
0x31: {  	[sflag:s8] =	ssyncadd.s32 $0xFFFFC000  }
0x32: {  	s11 =	sadd.s32 $0x1, s11  }
0x33: {  	p0 =	sne.s32 s11, s7  }
.Ltmp2:
0x34: {  	_ = 	snop;
	(pc) =	sbr.rel @p0 .LBB2_1-.Ltmp2, $1  }
0x35: {  	_ =	sdelay $0x3  }
0x36: {  	_ =	sfence.sel $0x180000  }
0x37: {  	[bflag:$0x0] =	sbarrier.arrive $0xFFFF  }
0x38: {  	p0 =	sne.s32 s3, $0x0;
	_ =	strace $0x90000047  }
0x39: {  	s0 =	sadd.s32 @!p0 $0x100000, s0;
	[bflag:$0x2] =	sbarrier.arrive $0xFFFF  }
0x3a: {  	[sflag:s0] =	ssyncadd.tile.s32 @!p0 $0x1;
	_ =	shalt  }
.Lfunc_end2:
_tile_overlayer_lowered:
.L_overlay_start_2:
0x3b: {  	(tag) =	ssettag $0x2  }
0x3c: {  	s0 =	rddreg [dreg:$0x0];
	s2 =	stileid.u32  }
0x3d: {  	s1 =	rddreg [dreg:$0x1];
	p0 =	sne.s32 s2, $0x0  }
0x3e: {  	s3 =	rddreg [dreg:$0x2];
	[bflag:$0x3] =	sbarrier.arrive $0xFFFF;
	s2 =	simm.s32 @!p0 $0x1C02  }
0x3f: {  	[timem:s3], [sflag:s2] =	dma.local @!p0 [hbm:s0], s1  }
0x40: {  	s0 =	simm.s32 @!p0 $0x2  }
0x41: {  	_ =	swait.ge @!p0 [sflag:s0], s1  }
0x42: {  	s1 =	ssub.s32 @!p0 $0x0, s1;
	[sflag:s0] =	ssyncset.done @!p0 $0x0  }
0x43: {  	[sflag:s0] =	ssyncadd.s32 @!p0 s1  }
0x44: {  	[bflag:$0x3] =	sbarrier.arrive $0xFFFF  }
0x45: {  	_ =	shalt  }

</sc_bundles>
